<compile_context>
chip_gen: v7x
topology: tpu7x:2x2x1
jax: 0.10.2.dev20260603
libtpu: 0.0.44.dev20260713+nightly
codegen_flags: <defaults>
</compile_context>

<pallas_src>
import functools

import jax
import jax.numpy as jnp
from jax import lax
from jax.experimental import pallas as pl
from jax.experimental.pallas import tpu as pltpu
from jax.experimental.pallas import tpu_sc as plsc

_NW = 32
_CH = 12800


def _make_sc(n):
    n_chunks = n // _CH
    mesh = plsc.VectorSubcoreMesh(core_axis_name="c", subcore_axis_name="s",
                                  num_cores=2)

    @functools.partial(
        pl.kernel,
        mesh=mesh,
        out_type=jax.ShapeDtypeStruct((5, n), jnp.int32),
        scratch_types=[
            pltpu.VMEM((16,), jnp.int32),
            pltpu.VMEM((_CH,), jnp.int32),
            pltpu.VMEM((5, _CH), jnp.int32),
        ],
    )
    def sck(par_hbm, sp_hbm, out_hbm, par_v, sp_v, planes_v):
        w = lax.axis_index("s") * 2 + lax.axis_index("c")
        pltpu.sync_copy(par_hbm, par_v)
        nk = (n_chunks - w + _NW - 1) // _NW

        def chunk_body(k, carry):
            off = (w + k * _NW) * _CH
            pltpu.sync_copy(sp_hbm.at[pl.ds(off, _CH)], sp_v)
            par = par_v[...]
            k0 = lax.broadcast_in_dim(par[0:1], (16,), (0,))
            k1 = lax.broadcast_in_dim(par[1:2], (16,), (0,))
            vm = lax.broadcast_in_dim(par[2:3], (16,), (0,))
            one = jnp.ones((16,), jnp.int32)

            def grp(g, carry2):
                sp16 = sp_v[pl.ds(g * 16, 16)]
                hi = sp16 >= 10
                base = jnp.where(hi, sp16 - 10, sp16)
                kv = jnp.where(hi, k1, k0)
                idx = lax.shift_right_logical(kv, base * 3) & 7
                v = lax.shift_left(one, idx) & vm
                for j in range(5):
                    planes_v[j, pl.ds(g * 16, 16)] = (
                        lax.shift_right_logical(v, j) & 1
                    )
                return carry2

            lax.fori_loop(0, _CH // 16, grp, 0)
            pltpu.sync_copy(planes_v, out_hbm.at[:, pl.ds(off, _CH)])
            return carry

        lax.fori_loop(0, nk, chunk_body, 0)

    return sck


def kernel(species, species_to_index, n_species):
    n = species.shape[0]
    s2i = species_to_index.astype(jnp.int32)
    k0 = jnp.sum(s2i[:10] << (jnp.arange(10, dtype=jnp.int32) * 3)).astype(jnp.int32)
    k1 = jnp.sum(s2i[10:] << (jnp.arange(7, dtype=jnp.int32) * 3)).astype(jnp.int32)
    vm = (jnp.int32(1) << jnp.asarray(n_species, jnp.int32)) - 1
    params = jnp.zeros((16,), jnp.int32).at[0].set(k0).at[1].set(k1).at[2].set(vm)
    out_t = _make_sc(n)(params, species)
    return out_t.T

# --- scband reference (transcript-rebuilt; emitter-appended) ---
"""Pipeline reference for scband-orthogonal-34127810134279 (READ-ONLY COPY).

The authoritative reference and input builder live on the scoring server;
editing this copy changes nothing except your own understanding.
"""

import jax, jax.numpy as jnp
import numpy as np

SPECIES = [1, 6, 7, 8, 16]
N_PAIRS = 6400000

def _build_tables():
    species_arr = np.unique(np.asarray(SPECIES, dtype=np.int32))
    n_species = int(len(species_arr))
    total_species = int(species_arr.max()) + 1
    s2i = np.zeros(total_species, dtype=np.int32)
    for i, s in enumerate(species_arr):
        s2i[int(s)] = i
    return s2i, n_species

def setup_inputs(seed: int = 0) -> dict:
    key = jax.random.key(seed)
    s2i, n_species = _build_tables()
    species = jax.random.randint(key, (N_PAIRS,), 0, 17, dtype=jnp.int32)
    return {
        "species": species,
        "species_to_index": jnp.asarray(s2i),
        "n_species": n_species,
    }

def reference(species, species_to_index, n_species):
    # idx = torch.index_select(self.species_to_index, 0, species)
    idx = jnp.take(species_to_index, species, axis=0)
    # return one_hot(idx, self.n_species)
    _, static_n = _build_tables()
    classes = jnp.arange(static_n, dtype=idx.dtype)
    valid = (classes < n_species).astype(jnp.int32)
    return (idx[:, None] == classes[None, :]).astype(jnp.int32) * valid[None, :]

if __name__ == "__main__":
    import jax
    _d = setup_inputs()
    print(jax.jit(kernel)(*tuple(_d.values())))

</pallas_src>

<mosaic_0001>
#map = affine_map<(d0, d1) -> (0)>
#map1 = affine_map<(d0, d1) -> (0, 0)>
module attributes {stable_mosaic.version = 14 : i64} {
  func.func @sck(%arg0: i32, %arg1: i32, %arg2: memref<16xi32, #tpu.memory_space<hbm>>, %arg3: memref<6400000xi32, #tpu.memory_space<hbm>>, %arg4: memref<5x6400000xi32, #tpu.memory_space<hbm>>, %arg5: memref<16xi32, #tpu.memory_space<vmem>>, %arg6: memref<12800xi32, #tpu.memory_space<vmem>>, %arg7: memref<5x12800xi32, #tpu.memory_space<vmem>>) attributes {dimension_semantics = [#tpu.dimension_semantics<core_parallel>, #tpu.dimension_semantics<subcore_parallel>], iteration_bounds = array<i64: 2, 16>, scalar_prefetch = 0 : i64, scratch_operands = 3 : i64, tpu.core_type = #tpu.core_type<sc_vector_subcore>, window_params = [{transform_indices = #map}, {transform_indices = #map}, {transform_indices = #map1}]} {
    %mul3A = arith.constant 2 : i32
    %mul3A_0 = arith.muli %arg1, %mul3A : i32
    %add3A = arith.addi %mul3A_0, %arg0 : i32
    "tpu.region"() ({
      %run_scoped3A = tpu.sem_alloc : memref<!tpu.dma_semaphore, #tpu.memory_space<semaphore_mem>>
      tpu.enqueue_dma source(%arg2 : memref<16xi32, #tpu.memory_space<hbm>>) target(%arg5 : memref<16xi32, #tpu.memory_space<vmem>>) target_semaphore(%run_scoped3A : memref<!tpu.dma_semaphore, #tpu.memory_space<semaphore_mem>>)
      tpu.wait_dma2 semaphore(%run_scoped3A : memref<!tpu.dma_semaphore, #tpu.memory_space<semaphore_mem>>) src(%arg2 : memref<16xi32, #tpu.memory_space<hbm>>) dst(%arg5 : memref<16xi32, #tpu.memory_space<vmem>>)
      tpu.yield
    }) : () -> ()
    %sub3A = arith.constant 500 : i32
    %sub3A_1 = arith.subi %sub3A, %add3A : i32
    %add3A_2 = arith.constant 32 : i32
    %add3A_3 = arith.addi %sub3A_1, %add3A_2 : i32
    %sub3A_4 = arith.constant 1 : i32
    %sub3A_5 = arith.subi %add3A_3, %sub3A_4 : i32
    %jit3A = arith.constant 32 : i32
    %div3A = arith.divsi %sub3A_5, %jit3A : i32
    %sign3A = arith.constant 0 : i32
    %sign3A_6 = arith.cmpi sgt, %sub3A_5, %sign3A : i32
    %sign3A_7 = arith.extui %sign3A_6 : i1 to i32
    %sign3A_8 = arith.constant 0 : i32
    %sign3A_9 = arith.cmpi slt, %sub3A_5, %sign3A_8 : i32
    %sign3A_10 = arith.extui %sign3A_9 : i1 to i32
    %sign3A_11 = arith.subi %sign3A_7, %sign3A_10 : i32
    %sign3A_12 = arith.constant 0 : i32
    %sign3A_13 = arith.cmpi sgt, %jit3A, %sign3A_12 : i32
    %sign3A_14 = arith.extui %sign3A_13 : i1 to i32
    %sign3A_15 = arith.constant 0 : i32
    %sign3A_16 = arith.cmpi slt, %jit3A, %sign3A_15 : i32
    %sign3A_17 = arith.extui %sign3A_16 : i1 to i32
    %sign3A_18 = arith.subi %sign3A_14, %sign3A_17 : i32
    %ne3A = arith.cmpi ne, %sign3A_11, %sign3A_18 : i32
    %rem3A = arith.remsi %sub3A_5, %jit3A : i32
    %ne3A_19 = arith.constant 0 : i32
    %ne3A_20 = arith.cmpi ne, %rem3A, %ne3A_19 : i32
    %and3A = arith.andi %ne3A, %ne3A_20 : i1
    %sub3A_21 = arith.constant 1 : i32
    %sub3A_22 = arith.subi %div3A, %sub3A_21 : i32
    %select_n3A = arith.select %and3A, %sub3A_22, %div3A : i32
    %while3A = arith.constant 0 : i32
    %while3A_23 = arith.constant 0 : i32
    %while3A_24 = arith.subi %select_n3A, %while3A_23 : i32
    %while3A_25 = arith.addi %while3A_23, %while3A_24 : i32
    %while3A_26 = arith.constant 1 : i32
    %while3A_27 = arith.divsi %while3A_24, %while3A_26 : i32
    %while3A_28 = arith.muli %while3A_27, %while3A_26 : i32
    %while3A_29 = arith.addi %while3A_23, %while3A_28 : i32
    %while3A_30 = arith.constant 1 : i32
    scf.for %while3A_32 = %while3A_23 to %while3A_29 step %while3A_30  : i32 {
      %mul3A_33 = arith.constant 32 : i32
      %mul3A_34 = arith.muli %while3A_32, %mul3A_33 : i32
      %add3A_35 = arith.addi %add3A, %mul3A_34 : i32
      %mul3A_36 = arith.constant 12800 : i32
      %mul3A_37 = arith.muli %add3A_35, %mul3A_36 : i32
      "tpu.region"() ({
        %run_scoped3A = tpu.sem_alloc : memref<!tpu.dma_semaphore, #tpu.memory_space<semaphore_mem>>
        %dma_start3A = tpu.memref_slice %arg3[%mul3A_37] : memref<6400000xi32, #tpu.memory_space<hbm>> -> memref<12800xi32, #tpu.memory_space<hbm>>
        %dma_start3A_54 = tpu.memref_slice %arg3[%mul3A_37] : memref<6400000xi32, #tpu.memory_space<hbm>> -> memref<12800xi32, #tpu.memory_space<hbm>>
        tpu.enqueue_dma source(%dma_start3A_54 : memref<12800xi32, #tpu.memory_space<hbm>>) target(%arg6 : memref<12800xi32, #tpu.memory_space<vmem>>) target_semaphore(%run_scoped3A : memref<!tpu.dma_semaphore, #tpu.memory_space<semaphore_mem>>)
        %dma_wait3A = tpu.memref_slice %arg3[%mul3A_37] : memref<6400000xi32, #tpu.memory_space<hbm>> -> memref<12800xi32, #tpu.memory_space<hbm>>
        %dma_wait3A_55 = tpu.memref_slice %arg3[%mul3A_37] : memref<6400000xi32, #tpu.memory_space<hbm>> -> memref<12800xi32, #tpu.memory_space<hbm>>
        tpu.wait_dma2 semaphore(%run_scoped3A : memref<!tpu.dma_semaphore, #tpu.memory_space<semaphore_mem>>) src(%dma_wait3A_55 : memref<12800xi32, #tpu.memory_space<hbm>>) dst(%arg6 : memref<12800xi32, #tpu.memory_space<vmem>>)
        tpu.yield
      }) : () -> ()
      %get3A = arith.constant 0 : index
      %get3A_38 = tpu.vector_load %arg5[%get3A] {strides = array<i32>} : memref<16xi32, #tpu.memory_space<vmem>>, vector<16xi32>,
      %get3A_39 = vector.shape_cast %get3A_38 : vector<16xi32> to vector<16xi32>
      %slice3A = vector.extract_strided_slice %get3A_39 {offsets = [0], sizes = [1], strides = [1]} : vector<16xi32> to vector<1xi32>
      %broadcast_in_dim3A = vector.shape_cast %slice3A : vector<1xi32> to vector<1xi32>
      %broadcast_in_dim3A_40 = vector.broadcast %broadcast_in_dim3A : vector<1xi32> to vector<16xi32>
      %slice3A_41 = vector.extract_strided_slice %get3A_39 {offsets = [1], sizes = [1], strides = [1]} : vector<16xi32> to vector<1xi32>
      %broadcast_in_dim3A_42 = vector.shape_cast %slice3A_41 : vector<1xi32> to vector<1xi32>
      %broadcast_in_dim3A_43 = vector.broadcast %broadcast_in_dim3A_42 : vector<1xi32> to vector<16xi32>
      %slice3A_44 = vector.extract_strided_slice %get3A_39 {offsets = [2], sizes = [1], strides = [1]} : vector<16xi32> to vector<1xi32>
      %broadcast_in_dim3A_45 = vector.shape_cast %slice3A_44 : vector<1xi32> to vector<1xi32>
      %broadcast_in_dim3A_46 = vector.broadcast %broadcast_in_dim3A_45 : vector<1xi32> to vector<16xi32>
      %broadcast_in_dim3A_47 = arith.constant 1 : i32
      %broadcast_in_dim3A_48 = vector.broadcast %broadcast_in_dim3A_47 : i32 to vector<16xi32>
      %scan3A = arith.constant 0 : i32
      %scan3A_49 = arith.constant 0 : i32
      %scan3A_50 = arith.constant 800 : i32
      %scan3A_51 = arith.addi %scan3A_49, %scan3A_50 : i32
      %scan3A_52 = arith.constant 1 : i32
      scf.for %scan3A_54 = %scan3A_49 to %scan3A_51 step %scan3A_52  : i32 {
        %mul3A_55 = arith.constant 16 : i32
        %mul3A_56 = arith.muli %scan3A_54, %mul3A_55 : i32
        %get3A_57 = arith.index_cast %mul3A_56 : i32 to index
        %get3A_58 = tpu.vector_load %arg6[%get3A_57] {strides = array<i32>} : memref<12800xi32, #tpu.memory_space<vmem>>, vector<16xi32>,
        %get3A_59 = vector.shape_cast %get3A_58 : vector<16xi32> to vector<16xi32>
        %ge3A = arith.constant 10 : i32
        %ge3A_60 = vector.broadcast %ge3A : i32 to vector<16xi32>
        %ge3A_61 = arith.cmpi sge, %get3A_59, %ge3A_60 : vector<16xi32>
        %sub3A_62 = arith.constant 10 : i32
        %sub3A_63 = vector.broadcast %sub3A_62 : i32 to vector<16xi32>
        %sub3A_64 = arith.subi %get3A_59, %sub3A_63 : vector<16xi32>
        %select_n3A_65 = arith.select %ge3A_61, %sub3A_64, %get3A_59 : vector<16xi1>, vector<16xi32>
        %select_n3A_66 = arith.select %ge3A_61, %broadcast_in_dim3A_43, %broadcast_in_dim3A_40 : vector<16xi1>, vector<16xi32>
        %mul3A_67 = arith.constant 3 : i32
        %mul3A_68 = vector.broadcast %mul3A_67 : i32 to vector<16xi32>
        %mul3A_69 = arith.muli %select_n3A_65, %mul3A_68 : vector<16xi32>
        %shift_right_logical3A = arith.shrui %select_n3A_66, %mul3A_69 : vector<16xi32>
        %and3A_70 = arith.constant 7 : i32
        %and3A_71 = vector.broadcast %and3A_70 : i32 to vector<16xi32>
        %and3A_72 = arith.andi %shift_right_logical3A, %and3A_71 : vector<16xi32>
        %shift_left3A = arith.shli %broadcast_in_dim3A_48, %and3A_72 : vector<16xi32>
        %and3A_73 = arith.andi %shift_left3A, %broadcast_in_dim3A_46 : vector<16xi32>
        %shift_right_logical3A_74 = arith.constant 0 : i32
        %shift_right_logical3A_75 = vector.broadcast %shift_right_logical3A_74 : i32 to vector<16xi32>
        %shift_right_logical3A_76 = arith.shrui %and3A_73, %shift_right_logical3A_75 : vector<16xi32>
        %and3A_77 = arith.constant 1 : i32
        %and3A_78 = vector.broadcast %and3A_77 : i32 to vector<16xi32>
        %and3A_79 = arith.andi %shift_right_logical3A_76, %and3A_78 : vector<16xi32>
        %mul3A_80 = arith.constant 16 : i32
        %mul3A_81 = arith.muli %scan3A_54, %mul3A_80 : i32
        %swap3A = arith.constant 0 : i32
        %swap3A_82 = arith.index_cast %swap3A : i32 to index
        %swap3A_83 = arith.index_cast %mul3A_81 : i32 to index
        %swap3A_84 = tpu.vector_load %arg7[%swap3A_82, %swap3A_83] {strides = array<i32>} : memref<5x12800xi32, #tpu.memory_space<vmem>>, vector<1x16xi32>,
        %swap3A_85 = vector.shape_cast %swap3A_84 : vector<1x16xi32> to vector<16xi32>
        %swap3A_86 = vector.shape_cast %and3A_79 : vector<16xi32> to vector<1x16xi32>
        tpu.vector_store %arg7[%swap3A_82, %swap3A_83], %swap3A_86 {strides = array<i32>} : memref<5x12800xi32, #tpu.memory_space<vmem>>, vector<1x16xi32>,
        %shift_right_logical3A_87 = arith.constant 1 : i32
        %shift_right_logical3A_88 = vector.broadcast %shift_right_logical3A_87 : i32 to vector<16xi32>
        %shift_right_logical3A_89 = arith.shrui %and3A_73, %shift_right_logical3A_88 : vector<16xi32>
        %and3A_90 = arith.constant 1 : i32
        %and3A_91 = vector.broadcast %and3A_90 : i32 to vector<16xi32>
        %and3A_92 = arith.andi %shift_right_logical3A_89, %and3A_91 : vector<16xi32>
        %mul3A_93 = arith.constant 16 : i32
        %mul3A_94 = arith.muli %scan3A_54, %mul3A_93 : i32
        %swap3A_95 = arith.constant 1 : i32
        %swap3A_96 = arith.index_cast %swap3A_95 : i32 to index
        %swap3A_97 = arith.index_cast %mul3A_94 : i32 to index
        %swap3A_98 = tpu.vector_load %arg7[%swap3A_96, %swap3A_97] {strides = array<i32>} : memref<5x12800xi32, #tpu.memory_space<vmem>>, vector<1x16xi32>,
        %swap3A_99 = vector.shape_cast %swap3A_98 : vector<1x16xi32> to vector<16xi32>
        %swap3A_100 = vector.shape_cast %and3A_92 : vector<16xi32> to vector<1x16xi32>
        tpu.vector_store %arg7[%swap3A_96, %swap3A_97], %swap3A_100 {strides = array<i32>} : memref<5x12800xi32, #tpu.memory_space<vmem>>, vector<1x16xi32>,
        %shift_right_logical3A_101 = arith.constant 2 : i32
        %shift_right_logical3A_102 = vector.broadcast %shift_right_logical3A_101 : i32 to vector<16xi32>
        %shift_right_logical3A_103 = arith.shrui %and3A_73, %shift_right_logical3A_102 : vector<16xi32>
        %and3A_104 = arith.constant 1 : i32
        %and3A_105 = vector.broadcast %and3A_104 : i32 to vector<16xi32>
        %and3A_106 = arith.andi %shift_right_logical3A_103, %and3A_105 : vector<16xi32>
        %mul3A_107 = arith.constant 16 : i32
        %mul3A_108 = arith.muli %scan3A_54, %mul3A_107 : i32
        %swap3A_109 = arith.constant 2 : i32
        %swap3A_110 = arith.index_cast %swap3A_109 : i32 to index
        %swap3A_111 = arith.index_cast %mul3A_108 : i32 to index
        %swap3A_112 = tpu.vector_load %arg7[%swap3A_110, %swap3A_111] {strides = array<i32>} : memref<5x12800xi32, #tpu.memory_space<vmem>>, vector<1x16xi32>,
        %swap3A_113 = vector.shape_cast %swap3A_112 : vector<1x16xi32> to vector<16xi32>
        %swap3A_114 = vector.shape_cast %and3A_106 : vector<16xi32> to vector<1x16xi32>
        tpu.vector_store %arg7[%swap3A_110, %swap3A_111], %swap3A_114 {strides = array<i32>} : memref<5x12800xi32, #tpu.memory_space<vmem>>, vector<1x16xi32>,
        %shift_right_logical3A_115 = arith.constant 3 : i32
        %shift_right_logical3A_116 = vector.broadcast %shift_right_logical3A_115 : i32 to vector<16xi32>
        %shift_right_logical3A_117 = arith.shrui %and3A_73, %shift_right_logical3A_116 : vector<16xi32>
        %and3A_118 = arith.constant 1 : i32
        %and3A_119 = vector.broadcast %and3A_118 : i32 to vector<16xi32>
        %and3A_120 = arith.andi %shift_right_logical3A_117, %and3A_119 : vector<16xi32>
        %mul3A_121 = arith.constant 16 : i32
        %mul3A_122 = arith.muli %scan3A_54, %mul3A_121 : i32
        %swap3A_123 = arith.constant 3 : i32
        %swap3A_124 = arith.index_cast %swap3A_123 : i32 to index
        %swap3A_125 = arith.index_cast %mul3A_122 : i32 to index
        %swap3A_126 = tpu.vector_load %arg7[%swap3A_124, %swap3A_125] {strides = array<i32>} : memref<5x12800xi32, #tpu.memory_space<vmem>>, vector<1x16xi32>,
        %swap3A_127 = vector.shape_cast %swap3A_126 : vector<1x16xi32> to vector<16xi32>
        %swap3A_128 = vector.shape_cast %and3A_120 : vector<16xi32> to vector<1x16xi32>
        tpu.vector_store %arg7[%swap3A_124, %swap3A_125], %swap3A_128 {strides = array<i32>} : memref<5x12800xi32, #tpu.memory_space<vmem>>, vector<1x16xi32>,
        %shift_right_logical3A_129 = arith.constant 4 : i32
        %shift_right_logical3A_130 = vector.broadcast %shift_right_logical3A_129 : i32 to vector<16xi32>
        %shift_right_logical3A_131 = arith.shrui %and3A_73, %shift_right_logical3A_130 : vector<16xi32>
        %and3A_132 = arith.constant 1 : i32
        %and3A_133 = vector.broadcast %and3A_132 : i32 to vector<16xi32>
        %and3A_134 = arith.andi %shift_right_logical3A_131, %and3A_133 : vector<16xi32>
        %mul3A_135 = arith.constant 16 : i32
        %mul3A_136 = arith.muli %scan3A_54, %mul3A_135 : i32
        %swap3A_137 = arith.constant 4 : i32
        %swap3A_138 = arith.index_cast %swap3A_137 : i32 to index
        %swap3A_139 = arith.index_cast %mul3A_136 : i32 to index
        %swap3A_140 = tpu.vector_load %arg7[%swap3A_138, %swap3A_139] {strides = array<i32>} : memref<5x12800xi32, #tpu.memory_space<vmem>>, vector<1x16xi32>,
        %swap3A_141 = vector.shape_cast %swap3A_140 : vector<1x16xi32> to vector<16xi32>
        %swap3A_142 = vector.shape_cast %and3A_134 : vector<16xi32> to vector<1x16xi32>
        tpu.vector_store %arg7[%swap3A_138, %swap3A_139], %swap3A_142 {strides = array<i32>} : memref<5x12800xi32, #tpu.memory_space<vmem>>, vector<1x16xi32>,
      }
      %scan3A_53 = arith.constant 800 : i32
      "tpu.region"() ({
        %run_scoped3A = tpu.sem_alloc : memref<!tpu.dma_semaphore, #tpu.memory_space<semaphore_mem>>
        %dma_start3A = arith.constant 0 : i32
        %dma_start3A_54 = tpu.memref_slice %arg4[%dma_start3A, %mul3A_37] : memref<5x6400000xi32, #tpu.memory_space<hbm>> -> memref<5x12800xi32, #tpu.memory_space<hbm>>
        %dma_start3A_55 = arith.constant 0 : i32
        %dma_start3A_56 = tpu.memref_slice %arg4[%dma_start3A_55, %mul3A_37] : memref<5x6400000xi32, #tpu.memory_space<hbm>> -> memref<5x12800xi32, #tpu.memory_space<hbm>>
        tpu.enqueue_dma source(%arg7 : memref<5x12800xi32, #tpu.memory_space<vmem>>) target(%dma_start3A_56 : memref<5x12800xi32, #tpu.memory_space<hbm>>) target_semaphore(%run_scoped3A : memref<!tpu.dma_semaphore, #tpu.memory_space<semaphore_mem>>)
        %dma_wait3A = arith.constant 0 : i32
        %dma_wait3A_57 = tpu.memref_slice %arg4[%dma_wait3A, %mul3A_37] : memref<5x6400000xi32, #tpu.memory_space<hbm>> -> memref<5x12800xi32, #tpu.memory_space<hbm>>
        %dma_wait3A_58 = arith.constant 0 : i32
        %dma_wait3A_59 = tpu.memref_slice %arg4[%dma_wait3A_58, %mul3A_37] : memref<5x6400000xi32, #tpu.memory_space<hbm>> -> memref<5x12800xi32, #tpu.memory_space<hbm>>
        tpu.wait_dma2 semaphore(%run_scoped3A : memref<!tpu.dma_semaphore, #tpu.memory_space<semaphore_mem>>) src(%arg7 : memref<5x12800xi32, #tpu.memory_space<vmem>>) dst(%dma_wait3A_59 : memref<5x12800xi32, #tpu.memory_space<hbm>>)
        tpu.yield
      }) : () -> ()
    }
    %while3A_31 = arith.constant 1 : i32
    scf.for %while3A_32 = %while3A_29 to %while3A_25 step %while3A_31  : i32 {
      %mul3A_33 = arith.constant 32 : i32
      %mul3A_34 = arith.muli %while3A_32, %mul3A_33 : i32
      %add3A_35 = arith.addi %add3A, %mul3A_34 : i32
      %mul3A_36 = arith.constant 12800 : i32
      %mul3A_37 = arith.muli %add3A_35, %mul3A_36 : i32
      "tpu.region"() ({
        %run_scoped3A = tpu.sem_alloc : memref<!tpu.dma_semaphore, #tpu.memory_space<semaphore_mem>>
        %dma_start3A = tpu.memref_slice %arg3[%mul3A_37] : memref<6400000xi32, #tpu.memory_space<hbm>> -> memref<12800xi32, #tpu.memory_space<hbm>>
        %dma_start3A_54 = tpu.memref_slice %arg3[%mul3A_37] : memref<6400000xi32, #tpu.memory_space<hbm>> -> memref<12800xi32, #tpu.memory_space<hbm>>
        tpu.enqueue_dma source(%dma_start3A_54 : memref<12800xi32, #tpu.memory_space<hbm>>) target(%arg6 : memref<12800xi32, #tpu.memory_space<vmem>>) target_semaphore(%run_scoped3A : memref<!tpu.dma_semaphore, #tpu.memory_space<semaphore_mem>>)
        %dma_wait3A = tpu.memref_slice %arg3[%mul3A_37] : memref<6400000xi32, #tpu.memory_space<hbm>> -> memref<12800xi32, #tpu.memory_space<hbm>>
        %dma_wait3A_55 = tpu.memref_slice %arg3[%mul3A_37] : memref<6400000xi32, #tpu.memory_space<hbm>> -> memref<12800xi32, #tpu.memory_space<hbm>>
        tpu.wait_dma2 semaphore(%run_scoped3A : memref<!tpu.dma_semaphore, #tpu.memory_space<semaphore_mem>>) src(%dma_wait3A_55 : memref<12800xi32, #tpu.memory_space<hbm>>) dst(%arg6 : memref<12800xi32, #tpu.memory_space<vmem>>)
        tpu.yield
      }) : () -> ()
      %get3A = arith.constant 0 : index
      %get3A_38 = tpu.vector_load %arg5[%get3A] {strides = array<i32>} : memref<16xi32, #tpu.memory_space<vmem>>, vector<16xi32>,
      %get3A_39 = vector.shape_cast %get3A_38 : vector<16xi32> to vector<16xi32>
      %slice3A = vector.extract_strided_slice %get3A_39 {offsets = [0], sizes = [1], strides = [1]} : vector<16xi32> to vector<1xi32>
      %broadcast_in_dim3A = vector.shape_cast %slice3A : vector<1xi32> to vector<1xi32>
      %broadcast_in_dim3A_40 = vector.broadcast %broadcast_in_dim3A : vector<1xi32> to vector<16xi32>
      %slice3A_41 = vector.extract_strided_slice %get3A_39 {offsets = [1], sizes = [1], strides = [1]} : vector<16xi32> to vector<1xi32>
      %broadcast_in_dim3A_42 = vector.shape_cast %slice3A_41 : vector<1xi32> to vector<1xi32>
      %broadcast_in_dim3A_43 = vector.broadcast %broadcast_in_dim3A_42 : vector<1xi32> to vector<16xi32>
      %slice3A_44 = vector.extract_strided_slice %get3A_39 {offsets = [2], sizes = [1], strides = [1]} : vector<16xi32> to vector<1xi32>
      %broadcast_in_dim3A_45 = vector.shape_cast %slice3A_44 : vector<1xi32> to vector<1xi32>
      %broadcast_in_dim3A_46 = vector.broadcast %broadcast_in_dim3A_45 : vector<1xi32> to vector<16xi32>
      %broadcast_in_dim3A_47 = arith.constant 1 : i32
      %broadcast_in_dim3A_48 = vector.broadcast %broadcast_in_dim3A_47 : i32 to vector<16xi32>
      %scan3A = arith.constant 0 : i32
      %scan3A_49 = arith.constant 0 : i32
      %scan3A_50 = arith.constant 800 : i32
      %scan3A_51 = arith.addi %scan3A_49, %scan3A_50 : i32
      %scan3A_52 = arith.constant 1 : i32
      scf.for %scan3A_54 = %scan3A_49 to %scan3A_51 step %scan3A_52  : i32 {
        %mul3A_55 = arith.constant 16 : i32
        %mul3A_56 = arith.muli %scan3A_54, %mul3A_55 : i32
        %get3A_57 = arith.index_cast %mul3A_56 : i32 to index
        %get3A_58 = tpu.vector_load %arg6[%get3A_57] {strides = array<i32>} : memref<12800xi32, #tpu.memory_space<vmem>>, vector<16xi32>,
        %get3A_59 = vector.shape_cast %get3A_58 : vector<16xi32> to vector<16xi32>
        %ge3A = arith.constant 10 : i32
        %ge3A_60 = vector.broadcast %ge3A : i32 to vector<16xi32>
        %ge3A_61 = arith.cmpi sge, %get3A_59, %ge3A_60 : vector<16xi32>
        %sub3A_62 = arith.constant 10 : i32
        %sub3A_63 = vector.broadcast %sub3A_62 : i32 to vector<16xi32>
        %sub3A_64 = arith.subi %get3A_59, %sub3A_63 : vector<16xi32>
        %select_n3A_65 = arith.select %ge3A_61, %sub3A_64, %get3A_59 : vector<16xi1>, vector<16xi32>
        %select_n3A_66 = arith.select %ge3A_61, %broadcast_in_dim3A_43, %broadcast_in_dim3A_40 : vector<16xi1>, vector<16xi32>
        %mul3A_67 = arith.constant 3 : i32
        %mul3A_68 = vector.broadcast %mul3A_67 : i32 to vector<16xi32>
        %mul3A_69 = arith.muli %select_n3A_65, %mul3A_68 : vector<16xi32>
        %shift_right_logical3A = arith.shrui %select_n3A_66, %mul3A_69 : vector<16xi32>
        %and3A_70 = arith.constant 7 : i32
        %and3A_71 = vector.broadcast %and3A_70 : i32 to vector<16xi32>
        %and3A_72 = arith.andi %shift_right_logical3A, %and3A_71 : vector<16xi32>
        %shift_left3A = arith.shli %broadcast_in_dim3A_48, %and3A_72 : vector<16xi32>
        %and3A_73 = arith.andi %shift_left3A, %broadcast_in_dim3A_46 : vector<16xi32>
        %shift_right_logical3A_74 = arith.constant 0 : i32
        %shift_right_logical3A_75 = vector.broadcast %shift_right_logical3A_74 : i32 to vector<16xi32>
        %shift_right_logical3A_76 = arith.shrui %and3A_73, %shift_right_logical3A_75 : vector<16xi32>
        %and3A_77 = arith.constant 1 : i32
        %and3A_78 = vector.broadcast %and3A_77 : i32 to vector<16xi32>
        %and3A_79 = arith.andi %shift_right_logical3A_76, %and3A_78 : vector<16xi32>
        %mul3A_80 = arith.constant 16 : i32
        %mul3A_81 = arith.muli %scan3A_54, %mul3A_80 : i32
        %swap3A = arith.constant 0 : i32
        %swap3A_82 = arith.index_cast %swap3A : i32 to index
        %swap3A_83 = arith.index_cast %mul3A_81 : i32 to index
        %swap3A_84 = tpu.vector_load %arg7[%swap3A_82, %swap3A_83] {strides = array<i32>} : memref<5x12800xi32, #tpu.memory_space<vmem>>, vector<1x16xi32>,
        %swap3A_85 = vector.shape_cast %swap3A_84 : vector<1x16xi32> to vector<16xi32>
        %swap3A_86 = vector.shape_cast %and3A_79 : vector<16xi32> to vector<1x16xi32>
        tpu.vector_store %arg7[%swap3A_82, %swap3A_83], %swap3A_86 {strides = array<i32>} : memref<5x12800xi32, #tpu.memory_space<vmem>>, vector<1x16xi32>,
        %shift_right_logical3A_87 = arith.constant 1 : i32
        %shift_right_logical3A_88 = vector.broadcast %shift_right_logical3A_87 : i32 to vector<16xi32>
        %shift_right_logical3A_89 = arith.shrui %and3A_73, %shift_right_logical3A_88 : vector<16xi32>
        %and3A_90 = arith.constant 1 : i32
        %and3A_91 = vector.broadcast %and3A_90 : i32 to vector<16xi32>
        %and3A_92 = arith.andi %shift_right_logical3A_89, %and3A_91 : vector<16xi32>
        %mul3A_93 = arith.constant 16 : i32
        %mul3A_94 = arith.muli %scan3A_54, %mul3A_93 : i32
        %swap3A_95 = arith.constant 1 : i32
        %swap3A_96 = arith.index_cast %swap3A_95 : i32 to index
        %swap3A_97 = arith.index_cast %mul3A_94 : i32 to index
        %swap3A_98 = tpu.vector_load %arg7[%swap3A_96, %swap3A_97] {strides = array<i32>} : memref<5x12800xi32, #tpu.memory_space<vmem>>, vector<1x16xi32>,
        %swap3A_99 = vector.shape_cast %swap3A_98 : vector<1x16xi32> to vector<16xi32>
        %swap3A_100 = vector.shape_cast %and3A_92 : vector<16xi32> to vector<1x16xi32>
        tpu.vector_store %arg7[%swap3A_96, %swap3A_97], %swap3A_100 {strides = array<i32>} : memref<5x12800xi32, #tpu.memory_space<vmem>>, vector<1x16xi32>,
        %shift_right_logical3A_101 = arith.constant 2 : i32
        %shift_right_logical3A_102 = vector.broadcast %shift_right_logical3A_101 : i32 to vector<16xi32>
        %shift_right_logical3A_103 = arith.shrui %and3A_73, %shift_right_logical3A_102 : vector<16xi32>
        %and3A_104 = arith.constant 1 : i32
        %and3A_105 = vector.broadcast %and3A_104 : i32 to vector<16xi32>
        %and3A_106 = arith.andi %shift_right_logical3A_103, %and3A_105 : vector<16xi32>
        %mul3A_107 = arith.constant 16 : i32
        %mul3A_108 = arith.muli %scan3A_54, %mul3A_107 : i32
        %swap3A_109 = arith.constant 2 : i32
        %swap3A_110 = arith.index_cast %swap3A_109 : i32 to index
        %swap3A_111 = arith.index_cast %mul3A_108 : i32 to index
        %swap3A_112 = tpu.vector_load %arg7[%swap3A_110, %swap3A_111] {strides = array<i32>} : memref<5x12800xi32, #tpu.memory_space<vmem>>, vector<1x16xi32>,
        %swap3A_113 = vector.shape_cast %swap3A_112 : vector<1x16xi32> to vector<16xi32>
        %swap3A_114 = vector.shape_cast %and3A_106 : vector<16xi32> to vector<1x16xi32>
        tpu.vector_store %arg7[%swap3A_110, %swap3A_111], %swap3A_114 {strides = array<i32>} : memref<5x12800xi32, #tpu.memory_space<vmem>>, vector<1x16xi32>,
        %shift_right_logical3A_115 = arith.constant 3 : i32
        %shift_right_logical3A_116 = vector.broadcast %shift_right_logical3A_115 : i32 to vector<16xi32>
        %shift_right_logical3A_117 = arith.shrui %and3A_73, %shift_right_logical3A_116 : vector<16xi32>
        %and3A_118 = arith.constant 1 : i32
        %and3A_119 = vector.broadcast %and3A_118 : i32 to vector<16xi32>
        %and3A_120 = arith.andi %shift_right_logical3A_117, %and3A_119 : vector<16xi32>
        %mul3A_121 = arith.constant 16 : i32
        %mul3A_122 = arith.muli %scan3A_54, %mul3A_121 : i32
        %swap3A_123 = arith.constant 3 : i32
        %swap3A_124 = arith.index_cast %swap3A_123 : i32 to index
        %swap3A_125 = arith.index_cast %mul3A_122 : i32 to index
        %swap3A_126 = tpu.vector_load %arg7[%swap3A_124, %swap3A_125] {strides = array<i32>} : memref<5x12800xi32, #tpu.memory_space<vmem>>, vector<1x16xi32>,
        %swap3A_127 = vector.shape_cast %swap3A_126 : vector<1x16xi32> to vector<16xi32>
        %swap3A_128 = vector.shape_cast %and3A_120 : vector<16xi32> to vector<1x16xi32>
        tpu.vector_store %arg7[%swap3A_124, %swap3A_125], %swap3A_128 {strides = array<i32>} : memref<5x12800xi32, #tpu.memory_space<vmem>>, vector<1x16xi32>,
        %shift_right_logical3A_129 = arith.constant 4 : i32
        %shift_right_logical3A_130 = vector.broadcast %shift_right_logical3A_129 : i32 to vector<16xi32>
        %shift_right_logical3A_131 = arith.shrui %and3A_73, %shift_right_logical3A_130 : vector<16xi32>
        %and3A_132 = arith.constant 1 : i32
        %and3A_133 = vector.broadcast %and3A_132 : i32 to vector<16xi32>
        %and3A_134 = arith.andi %shift_right_logical3A_131, %and3A_133 : vector<16xi32>
        %mul3A_135 = arith.constant 16 : i32
        %mul3A_136 = arith.muli %scan3A_54, %mul3A_135 : i32
        %swap3A_137 = arith.constant 4 : i32
        %swap3A_138 = arith.index_cast %swap3A_137 : i32 to index
        %swap3A_139 = arith.index_cast %mul3A_136 : i32 to index
        %swap3A_140 = tpu.vector_load %arg7[%swap3A_138, %swap3A_139] {strides = array<i32>} : memref<5x12800xi32, #tpu.memory_space<vmem>>, vector<1x16xi32>,
        %swap3A_141 = vector.shape_cast %swap3A_140 : vector<1x16xi32> to vector<16xi32>
        %swap3A_142 = vector.shape_cast %and3A_134 : vector<16xi32> to vector<1x16xi32>
        tpu.vector_store %arg7[%swap3A_138, %swap3A_139], %swap3A_142 {strides = array<i32>} : memref<5x12800xi32, #tpu.memory_space<vmem>>, vector<1x16xi32>,
      }
      %scan3A_53 = arith.constant 800 : i32
      "tpu.region"() ({
        %run_scoped3A = tpu.sem_alloc : memref<!tpu.dma_semaphore, #tpu.memory_space<semaphore_mem>>
        %dma_start3A = arith.constant 0 : i32
        %dma_start3A_54 = tpu.memref_slice %arg4[%dma_start3A, %mul3A_37] : memref<5x6400000xi32, #tpu.memory_space<hbm>> -> memref<5x12800xi32, #tpu.memory_space<hbm>>
        %dma_start3A_55 = arith.constant 0 : i32
        %dma_start3A_56 = tpu.memref_slice %arg4[%dma_start3A_55, %mul3A_37] : memref<5x6400000xi32, #tpu.memory_space<hbm>> -> memref<5x12800xi32, #tpu.memory_space<hbm>>
        tpu.enqueue_dma source(%arg7 : memref<5x12800xi32, #tpu.memory_space<vmem>>) target(%dma_start3A_56 : memref<5x12800xi32, #tpu.memory_space<hbm>>) target_semaphore(%run_scoped3A : memref<!tpu.dma_semaphore, #tpu.memory_space<semaphore_mem>>)
        %dma_wait3A = arith.constant 0 : i32
        %dma_wait3A_57 = tpu.memref_slice %arg4[%dma_wait3A, %mul3A_37] : memref<5x6400000xi32, #tpu.memory_space<hbm>> -> memref<5x12800xi32, #tpu.memory_space<hbm>>
        %dma_wait3A_58 = arith.constant 0 : i32
        %dma_wait3A_59 = tpu.memref_slice %arg4[%dma_wait3A_58, %mul3A_37] : memref<5x6400000xi32, #tpu.memory_space<hbm>> -> memref<5x12800xi32, #tpu.memory_space<hbm>>
        tpu.wait_dma2 semaphore(%run_scoped3A : memref<!tpu.dma_semaphore, #tpu.memory_space<semaphore_mem>>) src(%arg7 : memref<5x12800xi32, #tpu.memory_space<vmem>>) dst(%dma_wait3A_59 : memref<5x12800xi32, #tpu.memory_space<hbm>>)
        tpu.yield
      }) : () -> ()
    }
    return
  }
}

</mosaic_0001>

<sc_bundles>
// kernel: kernel.3.cloned.1.call-start
scs
__scs_entry_jumppad:
0x0: {  	(pc) =	sbr.rel $0x88, $3  }
0x1: {  	(tag) =	ssettag $0x0;
	lr =	simm.s32 $0x1  }
0x2: {  	[smem:$0x3F9E] =	sst lr;
	_ =	strace $0xD0000000  }
0x3: {  	_ = 	snop  }
0x4: {  	_ = 	snop  }
0x5: {  	_ = 	snop  }
0x6: {  	_ = 	snop  }
0x7: {  	_ = 	snop  }
__scs_overlays_trampoline_lowered:
0x8: {  	[smem:$0x3FAD] =	sst s0  }
0x9: {  	[smem:$0x3FAE] =	sst s1  }
0xa: {  	[smem:$0x3FAF] =	sst s2  }
0xb: {  	[smem:$0x3FB0] =	sst s3  }
0xc: {  	[smem:$0x3FB1] =	sst s4  }
0xd: {  	[smem:$0x3FB2] =	sst s5  }
0xe: {  	[smem:$0x3FB3] =	sst s6  }
0xf: {  	[smem:$0x3FB4] =	sst s7  }
0x10: {  	[smem:$0x3FB5] =	sst s8  }
0x11: {  	[smem:$0x3FB6] =	sst s9;
	s0 =	simm.s32 @!p0 $0x0  }
0x12: {  	s1 =	sld [smem:$0x3F9C];
	s0 =	simm.s32 @p0 $0x1  }
0x13: {  	[smem:$0x3FB7] =	sst s0;
	s0 =	simm.s32 @!p1 $0x0  }
0x14: {  	s2 =	sld [smem:$0x3F9B];
	s0 =	simm.s32 @p1 $0x1  }
0x15: {  	[smem:$0x3FB8] =	sst s0;
	s0 =	simm.s32 @!p2 $0x0  }
0x16: {  	s3 =	sld [smem:$0x3FDB];
	s0 =	simm.s32 @p2 $0x1  }
0x17: {  	s4 =	simm.s32 $0x1BF5;
	[smem:$0x3FBA] =	sst s0  }
0x18: {  	s0 =	sld [smem:$0x3F9D];
	_ =	swait.ge [sflag:s4], $0x0  }
0x19: {  	s7 =	sld [smem:$0x3F9E]  }
0x1a: {  	s8 =	sadd.s32 $0xFFFFE003, lr  }
0x1b: {  	s9 =	sadd.s32 $0xFFFFFEF7, lr;
	s5 =	simm.s32 $0xFFFFFFFF;
	p2 =	slt.u32 s8, $0xFFFFF086  }
0x1c: {  	p1 =	slt.u32 s9, $0xF7A;
	s5 =	simm.s32 @!p2 $0x0  }
0x1d: {  	s5 =	simm.s32 @p1 $0x1;
	p0 =	seq.s32 s7, s2  }
0x1e: {  	s7 =	smul.u32 @!p0 $0xF7A, s2;
	p2 =	seq.s32 @!p0 s5, $0x0  }
0x1f: {  	s9 =	smul.u32 $0xF7A, s1;
	s8 =	simm.s32 @!p0 $0x1BF5;
	p2 =	por !p2, p0  }
0x20: {  	[sflag:s8] =	ssyncset.s32 @!p0 $0xFFFFF086;
	s6 =	sadd.s32 @!p0 s3, s7;
	s7 =	simm.s32 @!p0 $0x108  }
0x21: {  	s3 =	sadd.s32 s3, s9;
	s6 =	sadd.s32 @!p0 $0x88, s6;
	s7 =	simm.s32 @p2 $0x1082  }
0x22: {  	[simem:s7], [sflag:s8] =	dma.local @!p0 [hbm:s6], $0xF7A  }
0x23: {  	s9 =	sor.u32 $0xD0000000, s2;
	s6 =	simm.s32 $0x108;
	_ =	swait.ge @!p0 [sflag:s8], $0x0  }
0x24: {  	s3 =	sadd.s32 $0x88, s3;
	s6 =	simm.s32 @!p1 $0x1082;
	[sflag:s4] =	ssyncset.s32 $0xFFFFF086  }
0x25: {  	[simem:s6], [sflag:s4] =	dma.local [hbm:s3], $0xF7A  }
0x26: {  	[smem:$0x3F9E] =	sst s1;
	(tag) =	ssettag s2;
	_ =	strace s9  }
0x27: {  	s1 =	sld [smem:$0x3FAE]  }
0x28: {  	s2 =	sld [smem:$0x3FAF]  }
0x29: {  	s4 =	sld [smem:$0x3FB1]  }
0x2a: {  	p0 =	seq.s32 s5, $0x0;
	s5 =	sld [smem:$0x3FB2]  }
0x2b: {  	s6 =	sld [smem:$0x3FB3]  }
0x2c: {  	s7 =	sld [smem:$0x3FB4]  }
0x2d: {  	s3 =	simm.s32 $0x108;
	s8 =	sld [smem:$0x3FB5]  }
0x2e: {  	s3 =	simm.s32 @!p0 $0x1082;
	s9 =	sld [smem:$0x3FB6]  }
0x2f: {  	lr =	sadd.s32 s0, s3;
	s0 =	sld [smem:$0x3FAD]  }
0x30: {  	s3 =	sld [smem:$0x3FB0]  }
0x31: {  	[smem:$0x3FB9] =	sst s10  }
0x32: {  	s10 =	sld [smem:$0x3FB7];
	_ =	sdelay $0x3  }
0x33: {  	p0 =	seq.s32 s10, $0x1;
	s10 =	sld [smem:$0x3FB9];
	_ =	sdelay $0x3  }
0x34: {  	[smem:$0x3FB9] =	sst s10  }
0x35: {  	s10 =	sld [smem:$0x3FB8];
	_ =	sdelay $0x3  }
0x36: {  	p1 =	seq.s32 s10, $0x1;
	s10 =	sld [smem:$0x3FB9];
	_ =	sdelay $0x3  }
0x37: {  	[smem:$0x3FB9] =	sst s10  }
0x38: {  	s10 =	sld [smem:$0x3FBA]  }
0x39: {  	_ = 	snop;
	(pc) =	sbr.ind lr, $3  }
0x3a: {  	_ = 	snop  }
0x3b: {  	_ = 	snop  }
0x3c: {  	p2 =	seq.s32 s10, $0x1;
	s10 =	sld [smem:$0x3FB9]  }
0x3d: {  	_ =	shalt  }
0x3e: {  	_ =	shalt  }
0x3f: {  	_ =	shalt  }
0x40: {  	_ =	shalt  }
0x41: {  	_ =	shalt  }
0x42: {  	_ =	shalt  }
0x43: {  	_ =	shalt  }
0x44: {  	_ =	shalt  }
0x45: {  	_ =	shalt  }
0x46: {  	_ =	shalt  }
0x47: {  	_ =	shalt  }
0x48: {  	_ =	shalt  }
0x49: {  	_ =	shalt  }
0x4a: {  	_ =	shalt  }
0x4b: {  	_ =	shalt  }
0x4c: {  	_ =	shalt  }
0x4d: {  	_ =	shalt  }
0x4e: {  	_ =	shalt  }
0x4f: {  	_ =	shalt  }
0x50: {  	_ =	shalt  }
0x51: {  	_ =	shalt  }
0x52: {  	_ =	shalt  }
0x53: {  	_ =	shalt  }
0x54: {  	_ =	shalt  }
0x55: {  	_ =	shalt  }
0x56: {  	_ =	shalt  }
0x57: {  	_ =	shalt  }
0x58: {  	_ =	shalt  }
0x59: {  	_ =	shalt  }
0x5a: {  	_ =	shalt  }
0x5b: {  	_ =	shalt  }
0x5c: {  	_ =	shalt  }
0x5d: {  	_ =	shalt  }
0x5e: {  	_ =	shalt  }
0x5f: {  	_ =	shalt  }
0x60: {  	_ =	shalt  }
0x61: {  	_ =	shalt  }
0x62: {  	_ =	shalt  }
0x63: {  	_ =	shalt  }
0x64: {  	_ =	shalt  }
0x65: {  	_ =	shalt  }
0x66: {  	_ =	shalt  }
0x67: {  	_ =	shalt  }
0x68: {  	_ =	shalt  }
0x69: {  	_ =	shalt  }
0x6a: {  	_ =	shalt  }
0x6b: {  	_ =	shalt  }
0x6c: {  	_ =	shalt  }
0x6d: {  	_ =	shalt  }
0x6e: {  	_ =	shalt  }
0x6f: {  	_ =	shalt  }
0x70: {  	_ =	shalt  }
0x71: {  	_ =	shalt  }
0x72: {  	_ =	shalt  }
0x73: {  	_ =	shalt  }
0x74: {  	_ =	shalt  }
0x75: {  	_ =	shalt  }
0x76: {  	_ =	shalt  }
0x77: {  	_ =	shalt  }
0x78: {  	_ =	shalt  }
0x79: {  	_ =	shalt  }
0x7a: {  	_ =	shalt  }
0x7b: {  	_ =	shalt  }
0x7c: {  	_ =	shalt  }
0x7d: {  	_ =	shalt  }
0x7e: {  	_ =	shalt  }
0x7f: {  	_ =	shalt  }
0x80: {  	_ =	shalt  }
0x81: {  	_ =	shalt  }
0x82: {  	_ =	shalt  }
0x83: {  	_ =	shalt  }
0x84: {  	_ =	shalt  }
0x85: {  	_ =	shalt  }
0x86: {  	_ =	shalt  }
0x87: {  	_ =	shalt  }
.Lfunc_end0:
.L_simem_size_0:
called_computation_lowered:
.L_overlay_start_0:
0x88: {  	s2 =	sld [smem:$0x3FD9]  }
0x89: {  	s3 =	sld [smem:$0x3FFE];
	_ =	sdelay $0x1  }
0x8a: {  	s1 =	srdreg.scid  }
0x8b: {  	s0 =	sand.u32 $0x1, s1  }
0x8c: {  	s17 =	sshll.u32 s0, $0xA;
	s2 =	sadd.s32 s3, s2  }
0x8d: {  	s2 =	sadd.s32 s2, s17  }
0x8e: {  	[smem:$0x3FC5] =	sst s2  }
0x8f: {  	_ = 	snop  }
0x90: {  	s2 =	sld [smem:$0x3FC9]  }
0x91: {  	s18 =	sld [smem:$0x3FD0];
	(tm) =	ssettm $0x1  }
0x92: {  	s4 =	sld [smem:$0x3FFB];
	_ =	sdelay $0x3  }
0x93: {  	_ =	strace s4  }
0x94: {  	s4 =	sld [smem:$0x3FFC];
	_ =	sdelay $0x3  }
0x95: {  	_ =	strace s4  }
0x96: {  	s4 =	sld [smem:$0x3FFD];
	_ =	sdelay $0x3  }
0x97: {  	_ =	strace s4  }
0x98: {  	_ =	strace $0x8FFFFFFF  }
0x99: {  	s19 =	sld [smem:$0x3FDB];
	_ =	sdelay $0x1  }
0x9a: {  	s5 =	simm.s32 $_scs_section_size  }
0x9b: {  	s6 =	simm.s32 $_size__tile_overlayer_lowered;
	s7 =	simm.s32 $_tile_overlayer_lowered  }
0x9c: {  	s22 =	simm.s32 $0x1BFF;
	s21 =	sshll.u32 s7, $0x1;
	s4 =	sadd.s32 s5, s19  }
0x9d: {  	s8 =	simm.s32 $0x0;
	s20 =	sshll.u32 s6, $0x1;
	s6 =	sadd.s32 s21, s4  }
0x9e: {  	[timem:s8], [sflag:s22] =	dma.local [hbm:s6], s20  }
0x9f: {  	_ =	swait.ge [sflag:s22], s20  }
0xa0: {  	s5 =	ssub.s32 $0x0, s20;
	[sflag:s22] =	ssyncset.done $0x0  }
0xa1: {  	[sflag:s22] =	ssyncadd.s32 s5;
	_ =	sdelay $0x1  }
0xa2: {  	s23 =	simm.s32 $0x1B8B  }
0xa3: {  	_ =	swait.ge [sflag:s23], $0x1  }
0xa4: {  	[sflag:s23] =	ssyncset.done $0x0  }
0xa5: {  	s25 =	simm.s32 $0x1B8E;
	s24 =	sld [smem:$0x3FFE];
	[sflag:s23] =	ssyncadd.s32 $0xFFFFFFFF  }
0xa6: {  	s26 =	simm.s32 $execute0_lowered;
	[smem:$0x3FD2] =	sst s25  }
0xa7: {  	s6 =	sshll.u32 s26, $0x1;
	_ =	strace $0x80000046;
	[dreg:$0x1] =	wrdreg $0xFFFFFFFF  }
0xa8: {  	s28 =	simm.s32 $_size_execute0_lowered;
	s4 =	sadd.s32 s4, s6;
	[dreg:$0x0] =	wrdreg $0x0  }
0xa9: {  	s6 =	sshll.u32 s28, $0x1;
	[dreg:$0x2] =	wrdreg s4  }
0xaa: {  	[dreg:$0x3] =	wrdreg s6  }
0xab: {  	[dreg:$0x4] =	wrdreg $0xC0  }
0xac: {  	_ =	task [dreg:s8], $0x5FFFF  }
0xad: {  	[dreg:$0x1] =	wrdreg $0xFFFFFFFF  }
0xae: {  	[dreg:$0x0] =	wrdreg $0x60  }
0xaf: {  	[dreg:$0x2] =	wrdreg s24  }
0xb0: {  	[dreg:$0x3] =	wrdreg s2  }
0xb1: {  	[dreg:$0x4] =	wrdreg s18  }
0xb2: {  	[dreg:$0x5] =	wrdreg $0x9  }
0xb3: {  	_ =	task.clear_ibuf [dreg:s8], $0x6FFFF;
	_ =	strace $0x90000046  }
0xb4: {  	s29 =	simm.s32 $0x9;
	_ =	strace $0x80000048  }
0xb5: {  	_ =	swait.ge [sflag:s29], $0x1  }
0xb6: {  	[sflag:s29] =	ssyncadd.s32 $0xFFFFFFFF  }
0xb7: {  	_ =	strace $0x90000048  }
0xb8: {  	_ =	sfence  }
0xb9: {  	s30 =	sld [smem:$0x0];
	_ =	sdelay $0x2  }
0xba: {  	s31 =	sshll.u32 s1, $0xD;
	s1 =	sshrl.u32 s1, $0x2  }
0xbb: {  	s3 =	sand.u32 $0x4000, s31;
	s1 =	sadd.s32 s1, s30  }
0xbc: {  	s0 =	sor.u32 s3, s0;
	s1 =	sshll.u32 s1, $0x11  }
0xbd: {  	s0 =	sor.u32 s1, s0  }
0xbe: {  	s0 =	sadd.s32 $0x8F2B, s0  }
0xbf: {  	[sflag:s0] =	ssyncadd.remote.s32 $0x1  }
0xc0: {  	_ =	sfence.sel $0xFFFF  }
0xc1: {  	[dreg:$0x0] =	wrdreg $0xFFFFFFFF;
	(pc) =	sbr.abs _section_cstart, $3  }
0xc2: {  	[dreg:$0x1] =	wrdreg $0xFFFFFFFF  }
0xc3: {  	_ =	task.clear_ibuf [dreg:s8], $0x2FFFF;
	_ =	strace $0x9FFFFFFF  }
0xc4: {  	(tm) =	ssettm $0x7FFFFFFF  }
0xc5: {  	_ =	shalt  }
tec
execute0_lowered:
.L_overlay_start_1:
0x0: {  	(tag) =	ssettag $0x1  }
0x1: {  	s2 =	rddreg [dreg:$0x0]  }
0x2: {  	s3 =	rddreg [dreg:$0x1];
	s0 =	srdreg.scid  }
0x3: {  	s4 =	rddreg [dreg:$0x2];
	s1 =	stileid.u32;
	s5 =	simm.s32 $0x0  }
0x4: {  	s10 =	simm.s32 $0x3280;
	s11 =	simm.s32 $0x0;
	s6 =	sand.u32 $0x1, s0  }
0x5: {  	s0 =	rddreg [dreg:$0x3];
	s8 =	sshll.u32 s1, $0x1;
	s7 =	ssub.s32 $0x2, s6  }
0x6: {  	[smem:$0x7FF] =	sst s5;
	s6 =	sor.u32 s8, s6;
	s9 =	sshrl.u32 s7, $0x1  }
0x7: {  	_ =	strace $0x80000047;
	s31 =	ssub.s32 $0x213, s6;
	s30 =	ssub.s32 s7, s9  }
0x8: {  	v0 =	vimm.s32 $0x0;
	v1 =	vimm.s32 $0x1;
	v2 =	vimm.s32 $0x2;
	s7 =	sshrl.u32 s31, $0x5;
	s9 =	simm.s32 $0x1;
	s8 =	smax.u32 s30, $0x1  }
.LBB2_1:
0x9: {  	[tilespmem:s5], [sflag:$0x1] =	stream.linear.gather [hbm4b:s2+s5], $0x80, $0x38;
	[tilespmem:$0x1C280] =	vst v63  }
0xa: {  	_ =	swait.ge [sflag:s9], $0x80  }
0xb: {  	[sflag:s9] =	ssyncset.done $0x0  }
0xc: {  	s12 =	simm.s32 $0x0;
	[sflag:s9] =	ssyncadd.s32 $0xFFFFFF80  }
.LBB2_2:
0xd: {  	s13 =	sshll.u32 s12, $0x5  }
0xe: {  	s13 =	sor.u32 s6, s13  }
0xf: {  	s14 =	smul.u32 $0x3200, s13;
	_ =	sdelay $0x1  }
0x10: {  	s14 =	sshrl.u32 s14, $0x3  }
0x11: {  	s15 =	simm.s32 $0x80;
	s16 =	sadd.s32 s3, s14;
	s14 =	simm.s32 $0x0  }
0x12: {  	[tilespmem:s15], [sflag:$0x1] =	stream.linear.gather [hbm4b:s16+s14], $0x3200, $0x38;
	[tilespmem:$0x1C280] =	vst v63  }
0x13: {  	_ =	swait.ge [sflag:s9], $0x3200  }
0x14: {  	[sflag:s9] =	ssyncset.done $0x0  }
0x15: {  	[sflag:s9] =	ssyncadd.s32 $0xFFFFCE00  }
0x16: {  	v5 =	vld [tilespmem:s15+$0x0]  }
0x17: {  	v6 =	vld [tilespmem:$0x0];
	_ =	sdelay $0x3  }
0x18: {  	vm0 =	vgt.s32 v5, $0x9;
	v7 =	vadd.s32 $0xFFFFFFF6, v5  }
0x19: {  	v3 =	vperm.xlane v6, v0;
	v4 =	vperm.xlane v6, v1;
	v5 =	vsel vm0, v7, v5  }
0x1a: {  	v5 =	vmul.u32 $0x3, v5  }
0x1b: {  	v7 =	vsel vm0, v4, v3  }
0x1c: {  	v7 =	vshrl.u32 v7, v5  }
0x1d: {  	v5 =	vperm.xlane v6, v2;
	v6 =	vand.u32 $0x7, v7  }
0x1e: {  	v6 =	vshll.u32 v1, v6  }
0x1f: {  	s31 =	sand.u32 $0x70, s14;
	s17 =	sand.u32 $0x1FC00, s14;
	v7 =	vand.u32 v5, v6  }
0x20: {  	s17 =	sor.u32 s31, s17;
	v8 =	vand.u32 $0x1, v7;
	v9 =	vshrl.u32 v7, $0x1;
	v6 =	vshrl.u32 v7, $0x2  }
0x21: {  	s16 =	simm.s32 $0x10;
	[tilespmem:s17+$0x3280] =	vst v8;
	v9 =	vand.u32 $0x1, v9;
	v8 =	vshrl.u32 v7, $0x3;
	v7 =	vshrl.u32 v7, $0x4  }
.LBB2_3:
0x22: {  	p0 =	sne.s32 s16, $0x31F0;
	[tilespmem:s17+$0x3300] =	vst v9;
	v6 =	vand.u32 $0x1, v6;
	v8 =	vand.u32 $0x1, v8;
	v7 =	vand.u32 $0x1, v7;
	s14 =	sadd.s32 $0x80, s14;
	s15 =	sadd.s32 $0x10, s15  }
0x23: {  	s18 =	smov.u32 s16;
	s16 =	sadd.s32 $0x10, s16;
	[tilespmem:s17+$0x3380] =	vst v6  }
0x24: {  	[tilespmem:s17+$0x3400] =	vst v8  }
0x25: {  	[tilespmem:s17+$0x3480] =	vst v7  }
0x26: {  	v6 =	vld [tilespmem:s15+$0x0];
	_ =	sdelay $0x4  }
0x27: {  	vm0 =	vgt.s32 v6, $0x9;
	v7 =	vadd.s32 $0xFFFFFFF6, v6  }
0x28: {  	v6 =	vsel vm0, v7, v6  }
0x29: {  	v6 =	vmul.u32 $0x3, v6  }
0x2a: {  	v7 =	vsel vm0, v4, v3  }
0x2b: {  	v6 =	vshrl.u32 v7, v6  }
.Ltmp0:
0x2c: {  	v6 =	vand.u32 $0x7, v6;
	(pc) =	sbr.rel @p0 .LBB2_3-.Ltmp0, $4  }
0x2d: {  	v6 =	vshll.u32 v1, v6  }
0x2e: {  	s17 =	sand.u32 $0x70, s18;
	s18 =	sand.u32 $0x1FC00, s14;
	v7 =	vand.u32 v5, v6  }
0x2f: {  	s17 =	sor.u32 s17, s18;
	v8 =	vand.u32 $0x1, v7;
	v9 =	vshrl.u32 v7, $0x1;
	v6 =	vshrl.u32 v7, $0x2  }
0x30: {  	[tilespmem:s17+$0x3280] =	vst v8;
	v9 =	vand.u32 $0x1, v9;
	v8 =	vshrl.u32 v7, $0x3;
	v7 =	vshrl.u32 v7, $0x4  }
0x31: {  	[tilespmem:s17+$0x3300] =	vst v9;
	v3 =	vand.u32 $0x1, v6;
	s13 =	smul.u32 $0x19000, s13  }
0x32: {  	v4 =	vand.u32 $0x1, v8;
	s12 =	sadd.s32 $0x1, s12;
	[tilespmem:s17+$0x3380] =	vst v3  }
0x33: {  	v3 =	vand.u32 $0x1, v7;
	[tilespmem:s17+$0x3400] =	vst v4;
	p0 =	sne.s32 s12, s7;
	s13 =	sshrl.u32 s13, $0x3  }
.Ltmp1:
0x34: {  	[tilespmem:s17+$0x3480] =	vst v3;
	s13 =	sadd.s32 s4, s13;
	(pc) =	sbr.rel @p0 .LBB2_2-.Ltmp1, $4  }
0x35: {  	[hbm4b:s13+s5] =	stream.linear.scatter [tilespmem:s10], [sflag:$0x1], $0x19000, $0x38;
	[tilespmem:$0x1C280] =	vst v63  }
0x36: {  	_ =	swait.ge [sflag:s9], $0x19000  }
0x37: {  	[sflag:s9] =	ssyncset.done $0x0  }
0x38: {  	[sflag:s9] =	ssyncadd.s32 $0xFFFE7000  }
0x39: {  	s11 =	sadd.s32 $0x1, s11  }
0x3a: {  	p0 =	sne.s32 s11, s8  }
.Ltmp2:
0x3b: {  	_ = 	snop;
	(pc) =	sbr.rel @p0 .LBB2_1-.Ltmp2, $1  }
0x3c: {  	_ =	sdelay $0x3  }
0x3d: {  	_ =	sfence.sel $0x180000  }
0x3e: {  	[bflag:$0x0] =	sbarrier.arrive $0xFFFF  }
0x3f: {  	p0 =	sne.s32 s1, $0x0;
	_ =	strace $0x90000047  }
0x40: {  	s0 =	sadd.s32 @!p0 $0x100000, s0;
	[bflag:$0x2] =	sbarrier.arrive $0xFFFF  }
0x41: {  	[sflag:s0] =	ssyncadd.tile.s32 @!p0 $0x1;
	_ =	shalt  }
.Lfunc_end2:
_tile_overlayer_lowered:
.L_overlay_start_2:
0x42: {  	(tag) =	ssettag $0x2  }
0x43: {  	s0 =	rddreg [dreg:$0x0];
	s2 =	stileid.u32  }
0x44: {  	s1 =	rddreg [dreg:$0x1];
	p0 =	sne.s32 s2, $0x0  }
0x45: {  	s3 =	rddreg [dreg:$0x2];
	[bflag:$0x3] =	sbarrier.arrive $0xFFFF;
	s2 =	simm.s32 @!p0 $0x1C01  }
0x46: {  	[timem:s3], [sflag:s2] =	dma.local @!p0 [hbm:s0], s1  }
0x47: {  	s0 =	simm.s32 @!p0 $0x1  }
0x48: {  	_ =	swait.ge @!p0 [sflag:s0], s1  }
0x49: {  	s1 =	ssub.s32 @!p0 $0x0, s1;
	[sflag:s0] =	ssyncset.done @!p0 $0x0  }
0x4a: {  	[sflag:s0] =	ssyncadd.s32 @!p0 s1  }
0x4b: {  	[bflag:$0x3] =	sbarrier.arrive $0xFFFF  }
0x4c: {  	_ =	shalt  }

</sc_bundles>
